<compile_context>
chip_gen: v7x
topology: tpu7x:2x2x1
jax: 0.10.2.dev20260603
libtpu: 0.0.44.dev20260713+nightly
codegen_flags: <defaults>
</compile_context>

<pallas_src>
import jax
import jax.numpy as jnp
from jax import lax
from jax.experimental import pallas as pl
from jax.experimental.pallas import tpu as pltpu
from jax.experimental.pallas import tpu_sc as plsc

_D = 256
_L = 16


def _permute(x, idxv):
    dn = lax.GatherDimensionNumbers(
        offset_dims=(), collapsed_slice_dims=(0,), start_index_map=(0,))
    return lax.gather(x, idxv[:, None], dn, slice_sizes=(1,),
                      mode=lax.GatherScatterMode.PROMISE_IN_BOUNDS)


def _sc_body(z_hbm, beta_hbm, gamma_hbm, loss_hbm, label_hbm, u_hbm,
             z_v, par_v, f_v, u_v, i_v, sem_in, sem_out):
    c1 = pltpu.async_copy(z_hbm, z_v, sem_in)
    c2 = pltpu.async_copy(beta_hbm, par_v.at[pl.ds(0, 1)], sem_in)
    c3 = pltpu.async_copy(gamma_hbm, par_v.at[pl.ds(8, 1)], sem_in)
    c1.wait()

    idx = lax.iota(jnp.int32, _L)
    zero_i = jnp.zeros((_L,), jnp.int32)

    acc = jnp.zeros((_L,), jnp.float32)
    for i in range(_D // _L):
        zv = z_v[pl.ds(i * _L, _L)]
        diff = zv - zv
        acc = acc + diff * diff
    for sh in (8, 4, 2, 1):
        acc = acc + _permute(acc, (idx + sh) % _L)
    d = acc

    l0 = -d
    l1 = -d
    lab = jnp.where(l0 >= l1, zero_i, zero_i + 1)
    i_v[...] = lab
    o_lab = pltpu.async_copy(i_v.at[pl.ds(0, 1)], label_hbm, sem_out)

    c2.wait()
    c3.wait()
    pv = par_v[...]
    bv = _permute(pv, zero_i)
    gv = _permute(pv, zero_i + 8)
    u_v[...] = 1.0 / (1.0 + jnp.exp(-((d - bv) / gv)))
    o_u = pltpu.async_copy(u_v.at[pl.ds(0, 1)], u_hbm, sem_out)

    mx = jnp.maximum(l0, l1)
    s = jnp.exp(l0 - mx) + jnp.exp(l1 - mx)
    y = jnp.full((_L,), 0.6931472)
    for _ in range(2):
        y = y + s * jnp.exp(-y) - 1.0
    f_v[...] = y
    o_loss = pltpu.async_copy(f_v.at[pl.ds(0, 1)], loss_hbm, sem_out)

    o_lab.wait()
    o_u.wait()
    o_loss.wait()


@jax.jit
def _run(zf, beta, gamma):
    mesh = plsc.VectorSubcoreMesh(core_axis_name="c", subcore_axis_name="s",
                                  num_cores=1, num_subcores=1)
    f = pl.kernel(
        _sc_body,
        out_type=(
            jax.ShapeDtypeStruct((1,), jnp.float32),
            jax.ShapeDtypeStruct((1,), jnp.int32),
            jax.ShapeDtypeStruct((1,), jnp.float32),
        ),
        mesh=mesh,
        scratch_types=[
            pltpu.VMEM((_D,), jnp.float32),
            pltpu.VMEM((_L,), jnp.float32),
            pltpu.VMEM((_L,), jnp.float32),
            pltpu.VMEM((_L,), jnp.float32),
            pltpu.VMEM((_L,), jnp.int32),
            pltpu.SemaphoreType.DMA,
            pltpu.SemaphoreType.DMA,
        ],
        name="prototype_memory_sc",
    )
    return f(zf, beta, gamma)


def kernel(z, beta, gamma):
    loss1, label, u = _run(z.reshape(_D), beta, gamma)
    return (loss1.reshape(()), label, u)

# --- scband reference (transcript-rebuilt; emitter-appended) ---
"""Pipeline reference for scband-prototype-memory-33638183862566 (READ-ONLY COPY).

The authoritative reference and input builder live on the scoring server;
editing this copy changes nothing except your own understanding.
"""

import jax, jax.numpy as jnp
import numpy as np


def setup_inputs(seed: int = 0) -> dict:
    key = jax.random.key(seed)
    z = jax.random.normal(key, (1, 256), dtype=jnp.float32)
    # learned parameters created in __init__
    beta = jnp.zeros((1,), dtype=jnp.float32)
    gamma = jnp.ones((1,), dtype=jnp.float32)
    return {"z": z, "beta": beta, "gamma": gamma}


def _cross_entropy(logits, labels):
    # torch.nn.CrossEntropyLoss with integer class targets, mean reduction
    logp = jax.nn.log_softmax(logits, axis=1)
    picked = jnp.take_along_axis(logp, labels[:, None], axis=1)
    return -jnp.mean(picked)


def reference(z, beta, gamma):
    # Faithful trace of PrototypeMemory.forward on a fresh module (prototypes is None).
    capacity = 8192
    thresh = 0.5
    decay = 0.995
    # prototypes initialized from z.clone(); usages = [1.0]
    prototypes = z
    usages = jnp.array([1.0], dtype=jnp.float32)
    dist = ((prototypes - z) ** 2).sum(axis=1).reshape(1, prototypes.shape[0])
    u = jax.nn.sigmoid((jnp.min(dist) - beta) / gamma)  # shape [1]
    # With fresh state min(dist)=0, beta=0, gamma=1 => u = 0.5 >= thresh, and
    # prototypes.shape[0] = 1 < capacity, so the concatenation branch is taken
    # deterministically; we trace that branch statically.
    prototypes = jnp.concatenate([prototypes, z], axis=0)
    usages = jnp.concatenate([usages, jnp.array([1.0], dtype=jnp.float32)])
    usages = usages * decay
    logits = -((prototypes - z) ** 2).sum(axis=1).reshape(1, prototypes.shape[0])
    label = jnp.argmax(logits, axis=1)
    loss = _cross_entropy(logits, label)
    return (loss, label, u)

if __name__ == "__main__":
    import jax
    _d = setup_inputs()
    print(jax.jit(kernel)(*tuple(_d.values())))

</pallas_src>

<mosaic_0001>
#map = affine_map<(d0, d1) -> (0)>
module attributes {stable_mosaic.version = 14 : i64} {
  func.func @prototype_memory_sc(%arg0: i32, %arg1: i32, %arg2: memref<256xf32, #tpu.memory_space<hbm>>, %arg3: memref<1xf32, #tpu.memory_space<hbm>>, %arg4: memref<1xf32, #tpu.memory_space<hbm>>, %arg5: memref<1xf32, #tpu.memory_space<hbm>>, %arg6: memref<1xi32, #tpu.memory_space<hbm>>, %arg7: memref<1xf32, #tpu.memory_space<hbm>>, %arg8: memref<256xf32, #tpu.memory_space<vmem>>, %arg9: memref<16xf32, #tpu.memory_space<vmem>>, %arg10: memref<16xf32, #tpu.memory_space<vmem>>, %arg11: memref<16xf32, #tpu.memory_space<vmem>>, %arg12: memref<16xi32, #tpu.memory_space<vmem>>, %arg13: memref<!tpu.dma_semaphore, #tpu.memory_space<semaphore_mem>>, %arg14: memref<!tpu.dma_semaphore, #tpu.memory_space<semaphore_mem>>) attributes {dimension_semantics = [#tpu.dimension_semantics<core_parallel>, #tpu.dimension_semantics<subcore_parallel>], iteration_bounds = array<i64: 1, 1>, scalar_prefetch = 0 : i64, scratch_operands = 7 : i64, tpu.core_type = #tpu.core_type<sc_vector_subcore>, window_params = [{transform_indices = #map}, {transform_indices = #map}, {transform_indices = #map}, {transform_indices = #map}, {transform_indices = #map}, {transform_indices = #map}]} {
    tpu.enqueue_dma source(%arg2 : memref<256xf32, #tpu.memory_space<hbm>>) target(%arg8 : memref<256xf32, #tpu.memory_space<vmem>>) target_semaphore(%arg13 : memref<!tpu.dma_semaphore, #tpu.memory_space<semaphore_mem>>)
    %dma_start3A = arith.constant 0 : i32
    %dma_start3A_0 = tpu.memref_slice %arg9[%dma_start3A] : memref<16xf32, #tpu.memory_space<vmem>> -> memref<1xf32, #tpu.memory_space<vmem>>
    %dma_start3A_1 = arith.constant 0 : i32
    %dma_start3A_2 = tpu.memref_slice %arg9[%dma_start3A_1] : memref<16xf32, #tpu.memory_space<vmem>> -> memref<1xf32, #tpu.memory_space<vmem>>
    tpu.enqueue_dma source(%arg3 : memref<1xf32, #tpu.memory_space<hbm>>) target(%dma_start3A_2 : memref<1xf32, #tpu.memory_space<vmem>>) target_semaphore(%arg13 : memref<!tpu.dma_semaphore, #tpu.memory_space<semaphore_mem>>)
    %dma_start3A_3 = arith.constant 8 : i32
    %dma_start3A_4 = tpu.memref_slice %arg9[%dma_start3A_3] : memref<16xf32, #tpu.memory_space<vmem>> -> memref<1xf32, #tpu.memory_space<vmem>>
    %dma_start3A_5 = arith.constant 8 : i32
    %dma_start3A_6 = tpu.memref_slice %arg9[%dma_start3A_5] : memref<16xf32, #tpu.memory_space<vmem>> -> memref<1xf32, #tpu.memory_space<vmem>>
    tpu.enqueue_dma source(%arg4 : memref<1xf32, #tpu.memory_space<hbm>>) target(%dma_start3A_6 : memref<1xf32, #tpu.memory_space<vmem>>) target_semaphore(%arg13 : memref<!tpu.dma_semaphore, #tpu.memory_space<semaphore_mem>>)
    tpu.wait_dma2 semaphore(%arg13 : memref<!tpu.dma_semaphore, #tpu.memory_space<semaphore_mem>>) src(%arg2 : memref<256xf32, #tpu.memory_space<hbm>>) dst(%arg8 : memref<256xf32, #tpu.memory_space<vmem>>)
    %iota3A = tpu.iota {dimensions = array<i32: 0>} : vector<16xi32>
    %broadcast_in_dim3A = arith.constant 0 : i32
    %broadcast_in_dim3A_7 = vector.broadcast %broadcast_in_dim3A : i32 to vector<16xi32>
    %broadcast_in_dim3A_8 = arith.constant 0.000000e+00 : f32
    %broadcast_in_dim3A_9 = vector.broadcast %broadcast_in_dim3A_8 : f32 to vector<16xf32>
    %get3A = arith.constant 0 : index
    %get3A_10 = tpu.vector_load %arg8[%get3A] {strides = array<i32>} : memref<256xf32, #tpu.memory_space<vmem>>, vector<16xf32>,
    %get3A_11 = vector.shape_cast %get3A_10 : vector<16xf32> to vector<16xf32>
    %sub3A = arith.subf %get3A_11, %get3A_11 : vector<16xf32>
    %mul3A = arith.mulf %sub3A, %sub3A : vector<16xf32>
    %add3A = arith.addf %broadcast_in_dim3A_9, %mul3A : vector<16xf32>
    %get3A_12 = arith.constant 16 : index
    %get3A_13 = tpu.vector_load %arg8[%get3A_12] {strides = array<i32>} : memref<256xf32, #tpu.memory_space<vmem>>, vector<16xf32>,
    %get3A_14 = vector.shape_cast %get3A_13 : vector<16xf32> to vector<16xf32>
    %sub3A_15 = arith.subf %get3A_14, %get3A_14 : vector<16xf32>
    %mul3A_16 = arith.mulf %sub3A_15, %sub3A_15 : vector<16xf32>
    %add3A_17 = arith.addf %add3A, %mul3A_16 : vector<16xf32>
    %get3A_18 = arith.constant 32 : index
    %get3A_19 = tpu.vector_load %arg8[%get3A_18] {strides = array<i32>} : memref<256xf32, #tpu.memory_space<vmem>>, vector<16xf32>,
    %get3A_20 = vector.shape_cast %get3A_19 : vector<16xf32> to vector<16xf32>
    %sub3A_21 = arith.subf %get3A_20, %get3A_20 : vector<16xf32>
    %mul3A_22 = arith.mulf %sub3A_21, %sub3A_21 : vector<16xf32>
    %add3A_23 = arith.addf %add3A_17, %mul3A_22 : vector<16xf32>
    %get3A_24 = arith.constant 48 : index
    %get3A_25 = tpu.vector_load %arg8[%get3A_24] {strides = array<i32>} : memref<256xf32, #tpu.memory_space<vmem>>, vector<16xf32>,
    %get3A_26 = vector.shape_cast %get3A_25 : vector<16xf32> to vector<16xf32>
    %sub3A_27 = arith.subf %get3A_26, %get3A_26 : vector<16xf32>
    %mul3A_28 = arith.mulf %sub3A_27, %sub3A_27 : vector<16xf32>
    %add3A_29 = arith.addf %add3A_23, %mul3A_28 : vector<16xf32>
    %get3A_30 = arith.constant 64 : index
    %get3A_31 = tpu.vector_load %arg8[%get3A_30] {strides = array<i32>} : memref<256xf32, #tpu.memory_space<vmem>>, vector<16xf32>,
    %get3A_32 = vector.shape_cast %get3A_31 : vector<16xf32> to vector<16xf32>
    %sub3A_33 = arith.subf %get3A_32, %get3A_32 : vector<16xf32>
    %mul3A_34 = arith.mulf %sub3A_33, %sub3A_33 : vector<16xf32>
    %add3A_35 = arith.addf %add3A_29, %mul3A_34 : vector<16xf32>
    %get3A_36 = arith.constant 80 : index
    %get3A_37 = tpu.vector_load %arg8[%get3A_36] {strides = array<i32>} : memref<256xf32, #tpu.memory_space<vmem>>, vector<16xf32>,
    %get3A_38 = vector.shape_cast %get3A_37 : vector<16xf32> to vector<16xf32>
    %sub3A_39 = arith.subf %get3A_38, %get3A_38 : vector<16xf32>
    %mul3A_40 = arith.mulf %sub3A_39, %sub3A_39 : vector<16xf32>
    %add3A_41 = arith.addf %add3A_35, %mul3A_40 : vector<16xf32>
    %get3A_42 = arith.constant 96 : index
    %get3A_43 = tpu.vector_load %arg8[%get3A_42] {strides = array<i32>} : memref<256xf32, #tpu.memory_space<vmem>>, vector<16xf32>,
    %get3A_44 = vector.shape_cast %get3A_43 : vector<16xf32> to vector<16xf32>
    %sub3A_45 = arith.subf %get3A_44, %get3A_44 : vector<16xf32>
    %mul3A_46 = arith.mulf %sub3A_45, %sub3A_45 : vector<16xf32>
    %add3A_47 = arith.addf %add3A_41, %mul3A_46 : vector<16xf32>
    %get3A_48 = arith.constant 112 : index
    %get3A_49 = tpu.vector_load %arg8[%get3A_48] {strides = array<i32>} : memref<256xf32, #tpu.memory_space<vmem>>, vector<16xf32>,
    %get3A_50 = vector.shape_cast %get3A_49 : vector<16xf32> to vector<16xf32>
    %sub3A_51 = arith.subf %get3A_50, %get3A_50 : vector<16xf32>
    %mul3A_52 = arith.mulf %sub3A_51, %sub3A_51 : vector<16xf32>
    %add3A_53 = arith.addf %add3A_47, %mul3A_52 : vector<16xf32>
    %get3A_54 = arith.constant 128 : index
    %get3A_55 = tpu.vector_load %arg8[%get3A_54] {strides = array<i32>} : memref<256xf32, #tpu.memory_space<vmem>>, vector<16xf32>,
    %get3A_56 = vector.shape_cast %get3A_55 : vector<16xf32> to vector<16xf32>
    %sub3A_57 = arith.subf %get3A_56, %get3A_56 : vector<16xf32>
    %mul3A_58 = arith.mulf %sub3A_57, %sub3A_57 : vector<16xf32>
    %add3A_59 = arith.addf %add3A_53, %mul3A_58 : vector<16xf32>
    %get3A_60 = arith.constant 144 : index
    %get3A_61 = tpu.vector_load %arg8[%get3A_60] {strides = array<i32>} : memref<256xf32, #tpu.memory_space<vmem>>, vector<16xf32>,
    %get3A_62 = vector.shape_cast %get3A_61 : vector<16xf32> to vector<16xf32>
    %sub3A_63 = arith.subf %get3A_62, %get3A_62 : vector<16xf32>
    %mul3A_64 = arith.mulf %sub3A_63, %sub3A_63 : vector<16xf32>
    %add3A_65 = arith.addf %add3A_59, %mul3A_64 : vector<16xf32>
    %get3A_66 = arith.constant 160 : index
    %get3A_67 = tpu.vector_load %arg8[%get3A_66] {strides = array<i32>} : memref<256xf32, #tpu.memory_space<vmem>>, vector<16xf32>,
    %get3A_68 = vector.shape_cast %get3A_67 : vector<16xf32> to vector<16xf32>
    %sub3A_69 = arith.subf %get3A_68, %get3A_68 : vector<16xf32>
    %mul3A_70 = arith.mulf %sub3A_69, %sub3A_69 : vector<16xf32>
    %add3A_71 = arith.addf %add3A_65, %mul3A_70 : vector<16xf32>
    %get3A_72 = arith.constant 176 : index
    %get3A_73 = tpu.vector_load %arg8[%get3A_72] {strides = array<i32>} : memref<256xf32, #tpu.memory_space<vmem>>, vector<16xf32>,
    %get3A_74 = vector.shape_cast %get3A_73 : vector<16xf32> to vector<16xf32>
    %sub3A_75 = arith.subf %get3A_74, %get3A_74 : vector<16xf32>
    %mul3A_76 = arith.mulf %sub3A_75, %sub3A_75 : vector<16xf32>
    %add3A_77 = arith.addf %add3A_71, %mul3A_76 : vector<16xf32>
    %get3A_78 = arith.constant 192 : index
    %get3A_79 = tpu.vector_load %arg8[%get3A_78] {strides = array<i32>} : memref<256xf32, #tpu.memory_space<vmem>>, vector<16xf32>,
    %get3A_80 = vector.shape_cast %get3A_79 : vector<16xf32> to vector<16xf32>
    %sub3A_81 = arith.subf %get3A_80, %get3A_80 : vector<16xf32>
    %mul3A_82 = arith.mulf %sub3A_81, %sub3A_81 : vector<16xf32>
    %add3A_83 = arith.addf %add3A_77, %mul3A_82 : vector<16xf32>
    %get3A_84 = arith.constant 208 : index
    %get3A_85 = tpu.vector_load %arg8[%get3A_84] {strides = array<i32>} : memref<256xf32, #tpu.memory_space<vmem>>, vector<16xf32>,
    %get3A_86 = vector.shape_cast %get3A_85 : vector<16xf32> to vector<16xf32>
    %sub3A_87 = arith.subf %get3A_86, %get3A_86 : vector<16xf32>
    %mul3A_88 = arith.mulf %sub3A_87, %sub3A_87 : vector<16xf32>
    %add3A_89 = arith.addf %add3A_83, %mul3A_88 : vector<16xf32>
    %get3A_90 = arith.constant 224 : index
    %get3A_91 = tpu.vector_load %arg8[%get3A_90] {strides = array<i32>} : memref<256xf32, #tpu.memory_space<vmem>>, vector<16xf32>,
    %get3A_92 = vector.shape_cast %get3A_91 : vector<16xf32> to vector<16xf32>
    %sub3A_93 = arith.subf %get3A_92, %get3A_92 : vector<16xf32>
    %mul3A_94 = arith.mulf %sub3A_93, %sub3A_93 : vector<16xf32>
    %add3A_95 = arith.addf %add3A_89, %mul3A_94 : vector<16xf32>
    %get3A_96 = arith.constant 240 : index
    %get3A_97 = tpu.vector_load %arg8[%get3A_96] {strides = array<i32>} : memref<256xf32, #tpu.memory_space<vmem>>, vector<16xf32>,
    %get3A_98 = vector.shape_cast %get3A_97 : vector<16xf32> to vector<16xf32>
    %sub3A_99 = arith.subf %get3A_98, %get3A_98 : vector<16xf32>
    %mul3A_100 = arith.mulf %sub3A_99, %sub3A_99 : vector<16xf32>
    %add3A_101 = arith.addf %add3A_95, %mul3A_100 : vector<16xf32>
    %add3A_102 = arith.constant 8 : i32
    %add3A_103 = vector.broadcast %add3A_102 : i32 to vector<16xi32>
    %add3A_104 = arith.addi %iota3A, %add3A_103 : vector<16xi32>
    %jit3A = arith.constant 16 : i32
    %eq3A = arith.constant 0 : i32
    %eq3A_105 = arith.cmpi eq, %jit3A, %eq3A : i32
    %jit3A_106 = arith.constant 1 : i32
    %select_n3A = arith.select %eq3A_105, %jit3A_106, %jit3A : i32
    %rem3A = vector.broadcast %select_n3A : i32 to vector<16xi32>
    %rem3A_107 = arith.remsi %add3A_104, %rem3A : vector<16xi32>
    %ne3A = arith.constant 0 : i32
    %ne3A_108 = vector.broadcast %ne3A : i32 to vector<16xi32>
    %ne3A_109 = arith.cmpi ne, %rem3A_107, %ne3A_108 : vector<16xi32>
    %lt3A = arith.constant 0 : i32
    %lt3A_110 = vector.broadcast %lt3A : i32 to vector<16xi32>
    %lt3A_111 = arith.cmpi slt, %rem3A_107, %lt3A_110 : vector<16xi32>
    %lt3A_112 = arith.constant 0 : i32
    %lt3A_113 = arith.cmpi slt, %select_n3A, %lt3A_112 : i32
    %ne3A_114 = vector.broadcast %lt3A_113 : i1 to vector<16xi1>
    %ne3A_115 = vector.broadcast %ne3A_114 : vector<16xi1> to vector<16xi1>
    %ne3A_116 = arith.xori %lt3A_111, %ne3A_115 : vector<16xi1>
    %and3A = arith.andi %ne3A_116, %ne3A_109 : vector<16xi1>
    %add3A_117 = vector.broadcast %select_n3A : i32 to vector<16xi32>
    %add3A_118 = arith.addi %rem3A_107, %add3A_117 : vector<16xi32>
    %select_n3A_119 = arith.select %and3A, %add3A_118, %rem3A_107 : vector<16xi1>, vector<16xi32>
    %broadcast_in_dim3A_120 = vector.shape_cast %select_n3A_119 : vector<16xi32> to vector<16x1xi32>
    %gather3A = vector.shape_cast %broadcast_in_dim3A_120 : vector<16x1xi32> to vector<16xi32>
    %gather3A_121 = tpu.dynamic_gather %add3A_101[%gather3A] in [0] : vector<16xf32>, vector<16xi32> -> vector<16xf32>
    %add3A_122 = arith.addf %add3A_101, %gather3A_121 : vector<16xf32>
    %add3A_123 = arith.constant 4 : i32
    %add3A_124 = vector.broadcast %add3A_123 : i32 to vector<16xi32>
    %add3A_125 = arith.addi %iota3A, %add3A_124 : vector<16xi32>
    %jit3A_126 = arith.constant 16 : i32
    %eq3A_127 = arith.constant 0 : i32
    %eq3A_128 = arith.cmpi eq, %jit3A_126, %eq3A_127 : i32
    %jit3A_129 = arith.constant 1 : i32
    %select_n3A_130 = arith.select %eq3A_128, %jit3A_129, %jit3A_126 : i32
    %rem3A_131 = vector.broadcast %select_n3A_130 : i32 to vector<16xi32>
    %rem3A_132 = arith.remsi %add3A_125, %rem3A_131 : vector<16xi32>
    %ne3A_133 = arith.constant 0 : i32
    %ne3A_134 = vector.broadcast %ne3A_133 : i32 to vector<16xi32>
    %ne3A_135 = arith.cmpi ne, %rem3A_132, %ne3A_134 : vector<16xi32>
    %lt3A_136 = arith.constant 0 : i32
    %lt3A_137 = vector.broadcast %lt3A_136 : i32 to vector<16xi32>
    %lt3A_138 = arith.cmpi slt, %rem3A_132, %lt3A_137 : vector<16xi32>
    %lt3A_139 = arith.constant 0 : i32
    %lt3A_140 = arith.cmpi slt, %select_n3A_130, %lt3A_139 : i32
    %ne3A_141 = vector.broadcast %lt3A_140 : i1 to vector<16xi1>
    %ne3A_142 = vector.broadcast %ne3A_141 : vector<16xi1> to vector<16xi1>
    %ne3A_143 = arith.xori %lt3A_138, %ne3A_142 : vector<16xi1>
    %and3A_144 = arith.andi %ne3A_143, %ne3A_135 : vector<16xi1>
    %add3A_145 = vector.broadcast %select_n3A_130 : i32 to vector<16xi32>
    %add3A_146 = arith.addi %rem3A_132, %add3A_145 : vector<16xi32>
    %select_n3A_147 = arith.select %and3A_144, %add3A_146, %rem3A_132 : vector<16xi1>, vector<16xi32>
    %broadcast_in_dim3A_148 = vector.shape_cast %select_n3A_147 : vector<16xi32> to vector<16x1xi32>
    %gather3A_149 = vector.shape_cast %broadcast_in_dim3A_148 : vector<16x1xi32> to vector<16xi32>
    %gather3A_150 = tpu.dynamic_gather %add3A_122[%gather3A_149] in [0] : vector<16xf32>, vector<16xi32> -> vector<16xf32>
    %add3A_151 = arith.addf %add3A_122, %gather3A_150 : vector<16xf32>
    %add3A_152 = arith.constant 2 : i32
    %add3A_153 = vector.broadcast %add3A_152 : i32 to vector<16xi32>
    %add3A_154 = arith.addi %iota3A, %add3A_153 : vector<16xi32>
    %jit3A_155 = arith.constant 16 : i32
    %eq3A_156 = arith.constant 0 : i32
    %eq3A_157 = arith.cmpi eq, %jit3A_155, %eq3A_156 : i32
    %jit3A_158 = arith.constant 1 : i32
    %select_n3A_159 = arith.select %eq3A_157, %jit3A_158, %jit3A_155 : i32
    %rem3A_160 = vector.broadcast %select_n3A_159 : i32 to vector<16xi32>
    %rem3A_161 = arith.remsi %add3A_154, %rem3A_160 : vector<16xi32>
    %ne3A_162 = arith.constant 0 : i32
    %ne3A_163 = vector.broadcast %ne3A_162 : i32 to vector<16xi32>
    %ne3A_164 = arith.cmpi ne, %rem3A_161, %ne3A_163 : vector<16xi32>
    %lt3A_165 = arith.constant 0 : i32
    %lt3A_166 = vector.broadcast %lt3A_165 : i32 to vector<16xi32>
    %lt3A_167 = arith.cmpi slt, %rem3A_161, %lt3A_166 : vector<16xi32>
    %lt3A_168 = arith.constant 0 : i32
    %lt3A_169 = arith.cmpi slt, %select_n3A_159, %lt3A_168 : i32
    %ne3A_170 = vector.broadcast %lt3A_169 : i1 to vector<16xi1>
    %ne3A_171 = vector.broadcast %ne3A_170 : vector<16xi1> to vector<16xi1>
    %ne3A_172 = arith.xori %lt3A_167, %ne3A_171 : vector<16xi1>
    %and3A_173 = arith.andi %ne3A_172, %ne3A_164 : vector<16xi1>
    %add3A_174 = vector.broadcast %select_n3A_159 : i32 to vector<16xi32>
    %add3A_175 = arith.addi %rem3A_161, %add3A_174 : vector<16xi32>
    %select_n3A_176 = arith.select %and3A_173, %add3A_175, %rem3A_161 : vector<16xi1>, vector<16xi32>
    %broadcast_in_dim3A_177 = vector.shape_cast %select_n3A_176 : vector<16xi32> to vector<16x1xi32>
    %gather3A_178 = vector.shape_cast %broadcast_in_dim3A_177 : vector<16x1xi32> to vector<16xi32>
    %gather3A_179 = tpu.dynamic_gather %add3A_151[%gather3A_178] in [0] : vector<16xf32>, vector<16xi32> -> vector<16xf32>
    %add3A_180 = arith.addf %add3A_151, %gather3A_179 : vector<16xf32>
    %add3A_181 = arith.constant 1 : i32
    %add3A_182 = vector.broadcast %add3A_181 : i32 to vector<16xi32>
    %add3A_183 = arith.addi %iota3A, %add3A_182 : vector<16xi32>
    %jit3A_184 = arith.constant 16 : i32
    %eq3A_185 = arith.constant 0 : i32
    %eq3A_186 = arith.cmpi eq, %jit3A_184, %eq3A_185 : i32
    %jit3A_187 = arith.constant 1 : i32
    %select_n3A_188 = arith.select %eq3A_186, %jit3A_187, %jit3A_184 : i32
    %rem3A_189 = vector.broadcast %select_n3A_188 : i32 to vector<16xi32>
    %rem3A_190 = arith.remsi %add3A_183, %rem3A_189 : vector<16xi32>
    %ne3A_191 = arith.constant 0 : i32
    %ne3A_192 = vector.broadcast %ne3A_191 : i32 to vector<16xi32>
    %ne3A_193 = arith.cmpi ne, %rem3A_190, %ne3A_192 : vector<16xi32>
    %lt3A_194 = arith.constant 0 : i32
    %lt3A_195 = vector.broadcast %lt3A_194 : i32 to vector<16xi32>
    %lt3A_196 = arith.cmpi slt, %rem3A_190, %lt3A_195 : vector<16xi32>
    %lt3A_197 = arith.constant 0 : i32
    %lt3A_198 = arith.cmpi slt, %select_n3A_188, %lt3A_197 : i32
    %ne3A_199 = vector.broadcast %lt3A_198 : i1 to vector<16xi1>
    %ne3A_200 = vector.broadcast %ne3A_199 : vector<16xi1> to vector<16xi1>
    %ne3A_201 = arith.xori %lt3A_196, %ne3A_200 : vector<16xi1>
    %and3A_202 = arith.andi %ne3A_201, %ne3A_193 : vector<16xi1>
    %add3A_203 = vector.broadcast %select_n3A_188 : i32 to vector<16xi32>
    %add3A_204 = arith.addi %rem3A_190, %add3A_203 : vector<16xi32>
    %select_n3A_205 = arith.select %and3A_202, %add3A_204, %rem3A_190 : vector<16xi1>, vector<16xi32>
    %broadcast_in_dim3A_206 = vector.shape_cast %select_n3A_205 : vector<16xi32> to vector<16x1xi32>
    %gather3A_207 = vector.shape_cast %broadcast_in_dim3A_206 : vector<16x1xi32> to vector<16xi32>
    %gather3A_208 = tpu.dynamic_gather %add3A_180[%gather3A_207] in [0] : vector<16xf32>, vector<16xi32> -> vector<16xf32>
    %add3A_209 = arith.addf %add3A_180, %gather3A_208 : vector<16xf32>
    %neg3A = arith.constant 0.000000e+00 : f32
    %neg3A_210 = vector.broadcast %neg3A : f32 to vector<16xf32>
    %neg3A_211 = arith.subf %neg3A_210, %add3A_209 : vector<16xf32>
    %neg3A_212 = arith.constant 0.000000e+00 : f32
    %neg3A_213 = vector.broadcast %neg3A_212 : f32 to vector<16xf32>
    %neg3A_214 = arith.subf %neg3A_213, %add3A_209 : vector<16xf32>
    %ge3A = arith.cmpf oge, %neg3A_211, %neg3A_214 : vector<16xf32>
    %add3A_215 = arith.constant 1 : i32
    %add3A_216 = vector.broadcast %add3A_215 : i32 to vector<16xi32>
    %add3A_217 = arith.addi %broadcast_in_dim3A_7, %add3A_216 : vector<16xi32>
    %select_n3A_218 = arith.select %ge3A, %broadcast_in_dim3A_7, %add3A_217 : vector<16xi1>, vector<16xi32>
    %swap3A = arith.constant 0 : index
    %swap3A_219 = tpu.vector_load %arg12[%swap3A] {strides = array<i32>} : memref<16xi32, #tpu.memory_space<vmem>>, vector<16xi32>,
    %swap3A_220 = vector.shape_cast %swap3A_219 : vector<16xi32> to vector<16xi32>
    %swap3A_221 = vector.shape_cast %select_n3A_218 : vector<16xi32> to vector<16xi32>
    tpu.vector_store %arg12[%swap3A], %swap3A_221 {strides = array<i32>} : memref<16xi32, #tpu.memory_space<vmem>>, vector<16xi32>,
    %dma_start3A_222 = arith.constant 0 : i32
    %dma_start3A_223 = tpu.memref_slice %arg12[%dma_start3A_222] : memref<16xi32, #tpu.memory_space<vmem>> -> memref<1xi32, #tpu.memory_space<vmem>>
    %dma_start3A_224 = arith.constant 0 : i32
    %dma_start3A_225 = tpu.memref_slice %arg12[%dma_start3A_224] : memref<16xi32, #tpu.memory_space<vmem>> -> memref<1xi32, #tpu.memory_space<vmem>>
    tpu.enqueue_dma source(%dma_start3A_225 : memref<1xi32, #tpu.memory_space<vmem>>) target(%arg6 : memref<1xi32, #tpu.memory_space<hbm>>) target_semaphore(%arg14 : memref<!tpu.dma_semaphore, #tpu.memory_space<semaphore_mem>>)
    %dma_wait3A = arith.constant 0 : i32
    %dma_wait3A_226 = tpu.memref_slice %arg9[%dma_wait3A] : memref<16xf32, #tpu.memory_space<vmem>> -> memref<1xf32, #tpu.memory_space<vmem>>
    %dma_wait3A_227 = arith.constant 0 : i32
    %dma_wait3A_228 = tpu.memref_slice %arg9[%dma_wait3A_227] : memref<16xf32, #tpu.memory_space<vmem>> -> memref<1xf32, #tpu.memory_space<vmem>>
    tpu.wait_dma2 semaphore(%arg13 : memref<!tpu.dma_semaphore, #tpu.memory_space<semaphore_mem>>) src(%arg3 : memref<1xf32, #tpu.memory_space<hbm>>) dst(%dma_wait3A_228 : memref<1xf32, #tpu.memory_space<vmem>>)
    %dma_wait3A_229 = arith.constant 8 : i32
    %dma_wait3A_230 = tpu.memref_slice %arg9[%dma_wait3A_229] : memref<16xf32, #tpu.memory_space<vmem>> -> memref<1xf32, #tpu.memory_space<vmem>>
    %dma_wait3A_231 = arith.constant 8 : i32
    %dma_wait3A_232 = tpu.memref_slice %arg9[%dma_wait3A_231] : memref<16xf32, #tpu.memory_space<vmem>> -> memref<1xf32, #tpu.memory_space<vmem>>
    tpu.wait_dma2 semaphore(%arg13 : memref<!tpu.dma_semaphore, #tpu.memory_space<semaphore_mem>>) src(%arg4 : memref<1xf32, #tpu.memory_space<hbm>>) dst(%dma_wait3A_232 : memref<1xf32, #tpu.memory_space<vmem>>)
    %get3A_233 = arith.constant 0 : index
    %get3A_234 = tpu.vector_load %arg9[%get3A_233] {strides = array<i32>} : memref<16xf32, #tpu.memory_space<vmem>>, vector<16xf32>,
    %get3A_235 = vector.shape_cast %get3A_234 : vector<16xf32> to vector<16xf32>
    %broadcast_in_dim3A_236 = vector.shape_cast %broadcast_in_dim3A_7 : vector<16xi32> to vector<16x1xi32>
    %gather3A_237 = vector.shape_cast %broadcast_in_dim3A_236 : vector<16x1xi32> to vector<16xi32>
    %gather3A_238 = tpu.dynamic_gather %get3A_235[%gather3A_237] in [0] : vector<16xf32>, vector<16xi32> -> vector<16xf32>
    %add3A_239 = arith.constant 8 : i32
    %add3A_240 = vector.broadcast %add3A_239 : i32 to vector<16xi32>
    %add3A_241 = arith.addi %broadcast_in_dim3A_7, %add3A_240 : vector<16xi32>
    %broadcast_in_dim3A_242 = vector.shape_cast %add3A_241 : vector<16xi32> to vector<16x1xi32>
    %gather3A_243 = vector.shape_cast %broadcast_in_dim3A_242 : vector<16x1xi32> to vector<16xi32>
    %gather3A_244 = tpu.dynamic_gather %get3A_235[%gather3A_243] in [0] : vector<16xf32>, vector<16xi32> -> vector<16xf32>
    %sub3A_245 = arith.subf %add3A_209, %gather3A_238 : vector<16xf32>
    %div3A = arith.divf %sub3A_245, %gather3A_244 : vector<16xf32>
    %neg3A_246 = arith.constant 0.000000e+00 : f32
    %neg3A_247 = vector.broadcast %neg3A_246 : f32 to vector<16xf32>
    %neg3A_248 = arith.subf %neg3A_247, %div3A : vector<16xf32>
    %exp3A = math.exp %neg3A_248 : vector<16xf32>
    %add3A_249 = arith.constant 1.000000e+00 : f32
    %add3A_250 = vector.broadcast %add3A_249 : f32 to vector<16xf32>
    %add3A_251 = arith.addf %add3A_250, %exp3A : vector<16xf32>
    %div3A_252 = arith.constant 1.000000e+00 : f32
    %div3A_253 = vector.broadcast %div3A_252 : f32 to vector<16xf32>
    %div3A_254 = arith.divf %div3A_253, %add3A_251 : vector<16xf32>
    %swap3A_255 = arith.constant 0 : index
    %swap3A_256 = tpu.vector_load %arg11[%swap3A_255] {strides = array<i32>} : memref<16xf32, #tpu.memory_space<vmem>>, vector<16xf32>,
    %swap3A_257 = vector.shape_cast %swap3A_256 : vector<16xf32> to vector<16xf32>
    %swap3A_258 = vector.shape_cast %div3A_254 : vector<16xf32> to vector<16xf32>
    tpu.vector_store %arg11[%swap3A_255], %swap3A_258 {strides = array<i32>} : memref<16xf32, #tpu.memory_space<vmem>>, vector<16xf32>,
    %dma_start3A_259 = arith.constant 0 : i32
    %dma_start3A_260 = tpu.memref_slice %arg11[%dma_start3A_259] : memref<16xf32, #tpu.memory_space<vmem>> -> memref<1xf32, #tpu.memory_space<vmem>>
    %dma_start3A_261 = arith.constant 0 : i32
    %dma_start3A_262 = tpu.memref_slice %arg11[%dma_start3A_261] : memref<16xf32, #tpu.memory_space<vmem>> -> memref<1xf32, #tpu.memory_space<vmem>>
    tpu.enqueue_dma source(%dma_start3A_262 : memref<1xf32, #tpu.memory_space<vmem>>) target(%arg7 : memref<1xf32, #tpu.memory_space<hbm>>) target_semaphore(%arg14 : memref<!tpu.dma_semaphore, #tpu.memory_space<semaphore_mem>>)
    %max3A = arith.maximumf %neg3A_211, %neg3A_214 : vector<16xf32>
    %sub3A_263 = arith.subf %neg3A_211, %max3A : vector<16xf32>
    %exp3A_264 = math.exp %sub3A_263 : vector<16xf32>
    %sub3A_265 = arith.subf %neg3A_214, %max3A : vector<16xf32>
    %exp3A_266 = math.exp %sub3A_265 : vector<16xf32>
    %add3A_267 = arith.addf %exp3A_264, %exp3A_266 : vector<16xf32>
    %broadcast_in_dim3A_268 = arith.constant 0.693147182 : f32
    %broadcast_in_dim3A_269 = vector.broadcast %broadcast_in_dim3A_268 : f32 to vector<16xf32>
    %neg3A_270 = arith.constant 0.000000e+00 : f32
    %neg3A_271 = vector.broadcast %neg3A_270 : f32 to vector<16xf32>
    %neg3A_272 = arith.subf %neg3A_271, %broadcast_in_dim3A_269 : vector<16xf32>
    %exp3A_273 = math.exp %neg3A_272 : vector<16xf32>
    %mul3A_274 = arith.mulf %add3A_267, %exp3A_273 : vector<16xf32>
    %add3A_275 = arith.addf %broadcast_in_dim3A_269, %mul3A_274 : vector<16xf32>
    %sub3A_276 = arith.constant 1.000000e+00 : f32
    %sub3A_277 = vector.broadcast %sub3A_276 : f32 to vector<16xf32>
    %sub3A_278 = arith.subf %add3A_275, %sub3A_277 : vector<16xf32>
    %neg3A_279 = arith.constant 0.000000e+00 : f32
    %neg3A_280 = vector.broadcast %neg3A_279 : f32 to vector<16xf32>
    %neg3A_281 = arith.subf %neg3A_280, %sub3A_278 : vector<16xf32>
    %exp3A_282 = math.exp %neg3A_281 : vector<16xf32>
    %mul3A_283 = arith.mulf %add3A_267, %exp3A_282 : vector<16xf32>
    %add3A_284 = arith.addf %sub3A_278, %mul3A_283 : vector<16xf32>
    %sub3A_285 = arith.constant 1.000000e+00 : f32
    %sub3A_286 = vector.broadcast %sub3A_285 : f32 to vector<16xf32>
    %sub3A_287 = arith.subf %add3A_284, %sub3A_286 : vector<16xf32>
    %swap3A_288 = arith.constant 0 : index
    %swap3A_289 = tpu.vector_load %arg10[%swap3A_288] {strides = array<i32>} : memref<16xf32, #tpu.memory_space<vmem>>, vector<16xf32>,
    %swap3A_290 = vector.shape_cast %swap3A_289 : vector<16xf32> to vector<16xf32>
    %swap3A_291 = vector.shape_cast %sub3A_287 : vector<16xf32> to vector<16xf32>
    tpu.vector_store %arg10[%swap3A_288], %swap3A_291 {strides = array<i32>} : memref<16xf32, #tpu.memory_space<vmem>>, vector<16xf32>,
    %dma_start3A_292 = arith.constant 0 : i32
    %dma_start3A_293 = tpu.memref_slice %arg10[%dma_start3A_292] : memref<16xf32, #tpu.memory_space<vmem>> -> memref<1xf32, #tpu.memory_space<vmem>>
    %dma_start3A_294 = arith.constant 0 : i32
    %dma_start3A_295 = tpu.memref_slice %arg10[%dma_start3A_294] : memref<16xf32, #tpu.memory_space<vmem>> -> memref<1xf32, #tpu.memory_space<vmem>>
    tpu.enqueue_dma source(%dma_start3A_295 : memref<1xf32, #tpu.memory_space<vmem>>) target(%arg5 : memref<1xf32, #tpu.memory_space<hbm>>) target_semaphore(%arg14 : memref<!tpu.dma_semaphore, #tpu.memory_space<semaphore_mem>>)
    %dma_wait3A_296 = arith.constant 0 : i32
    %dma_wait3A_297 = tpu.memref_slice %arg12[%dma_wait3A_296] : memref<16xi32, #tpu.memory_space<vmem>> -> memref<1xi32, #tpu.memory_space<vmem>>
    %dma_wait3A_298 = arith.constant 0 : i32
    %dma_wait3A_299 = tpu.memref_slice %arg12[%dma_wait3A_298] : memref<16xi32, #tpu.memory_space<vmem>> -> memref<1xi32, #tpu.memory_space<vmem>>
    tpu.wait_dma2 semaphore(%arg14 : memref<!tpu.dma_semaphore, #tpu.memory_space<semaphore_mem>>) src(%dma_wait3A_299 : memref<1xi32, #tpu.memory_space<vmem>>) dst(%arg6 : memref<1xi32, #tpu.memory_space<hbm>>)
    %dma_wait3A_300 = arith.constant 0 : i32
    %dma_wait3A_301 = tpu.memref_slice %arg11[%dma_wait3A_300] : memref<16xf32, #tpu.memory_space<vmem>> -> memref<1xf32, #tpu.memory_space<vmem>>
    %dma_wait3A_302 = arith.constant 0 : i32
    %dma_wait3A_303 = tpu.memref_slice %arg11[%dma_wait3A_302] : memref<16xf32, #tpu.memory_space<vmem>> -> memref<1xf32, #tpu.memory_space<vmem>>
    tpu.wait_dma2 semaphore(%arg14 : memref<!tpu.dma_semaphore, #tpu.memory_space<semaphore_mem>>) src(%dma_wait3A_303 : memref<1xf32, #tpu.memory_space<vmem>>) dst(%arg7 : memref<1xf32, #tpu.memory_space<hbm>>)
    %dma_wait3A_304 = arith.constant 0 : i32
    %dma_wait3A_305 = tpu.memref_slice %arg10[%dma_wait3A_304] : memref<16xf32, #tpu.memory_space<vmem>> -> memref<1xf32, #tpu.memory_space<vmem>>
    %dma_wait3A_306 = arith.constant 0 : i32
    %dma_wait3A_307 = tpu.memref_slice %arg10[%dma_wait3A_306] : memref<16xf32, #tpu.memory_space<vmem>> -> memref<1xf32, #tpu.memory_space<vmem>>
    tpu.wait_dma2 semaphore(%arg14 : memref<!tpu.dma_semaphore, #tpu.memory_space<semaphore_mem>>) src(%dma_wait3A_307 : memref<1xf32, #tpu.memory_space<vmem>>) dst(%arg5 : memref<1xf32, #tpu.memory_space<hbm>>)
    return
  }
}

</mosaic_0001>

<sc_bundles>
// kernel: prototype_memory_sc.3.cloned.1.call-start
scs
__scs_entry_jumppad:
0x0: {  	(pc) =	sbr.rel $0x88, $3  }
0x1: {  	(tag) =	ssettag $0x0;
	lr =	simm.s32 $0x1  }
0x2: {  	[smem:$0x3F9E] =	sst lr;
	_ =	strace $0xD0000000  }
0x3: {  	_ = 	snop  }
0x4: {  	_ = 	snop  }
0x5: {  	_ = 	snop  }
0x6: {  	_ = 	snop  }
0x7: {  	_ = 	snop  }
__scs_overlays_trampoline_lowered:
0x8: {  	[smem:$0x3FAD] =	sst s0  }
0x9: {  	[smem:$0x3FAE] =	sst s1  }
0xa: {  	[smem:$0x3FAF] =	sst s2  }
0xb: {  	[smem:$0x3FB0] =	sst s3  }
0xc: {  	[smem:$0x3FB1] =	sst s4  }
0xd: {  	[smem:$0x3FB2] =	sst s5  }
0xe: {  	[smem:$0x3FB3] =	sst s6  }
0xf: {  	[smem:$0x3FB4] =	sst s7  }
0x10: {  	[smem:$0x3FB5] =	sst s8  }
0x11: {  	[smem:$0x3FB6] =	sst s9;
	s0 =	simm.s32 @!p0 $0x0  }
0x12: {  	s1 =	sld [smem:$0x3F9C];
	s0 =	simm.s32 @p0 $0x1  }
0x13: {  	[smem:$0x3FB7] =	sst s0;
	s0 =	simm.s32 @!p1 $0x0  }
0x14: {  	s2 =	sld [smem:$0x3F9B];
	s0 =	simm.s32 @p1 $0x1  }
0x15: {  	[smem:$0x3FB8] =	sst s0;
	s0 =	simm.s32 @!p2 $0x0  }
0x16: {  	s3 =	sld [smem:$0x3FDB];
	s0 =	simm.s32 @p2 $0x1  }
0x17: {  	s4 =	simm.s32 $0x1BF5;
	[smem:$0x3FBA] =	sst s0  }
0x18: {  	s0 =	sld [smem:$0x3F9D];
	_ =	swait.ge [sflag:s4], $0x0  }
0x19: {  	s7 =	sld [smem:$0x3F9E]  }
0x1a: {  	s8 =	sadd.s32 $0xFFFFE003, lr  }
0x1b: {  	s9 =	sadd.s32 $0xFFFFFEF7, lr;
	s5 =	simm.s32 $0xFFFFFFFF;
	p2 =	slt.u32 s8, $0xFFFFF086  }
0x1c: {  	p1 =	slt.u32 s9, $0xF7A;
	s5 =	simm.s32 @!p2 $0x0  }
0x1d: {  	s5 =	simm.s32 @p1 $0x1;
	p0 =	seq.s32 s7, s2  }
0x1e: {  	s7 =	smul.u32 @!p0 $0xF7A, s2;
	p2 =	seq.s32 @!p0 s5, $0x0  }
0x1f: {  	s9 =	smul.u32 $0xF7A, s1;
	s8 =	simm.s32 @!p0 $0x1BF5;
	p2 =	por !p2, p0  }
0x20: {  	[sflag:s8] =	ssyncset.s32 @!p0 $0xFFFFF086;
	s6 =	sadd.s32 @!p0 s3, s7;
	s7 =	simm.s32 @!p0 $0x108  }
0x21: {  	s3 =	sadd.s32 s3, s9;
	s6 =	sadd.s32 @!p0 $0x88, s6;
	s7 =	simm.s32 @p2 $0x1082  }
0x22: {  	[simem:s7], [sflag:s8] =	dma.local @!p0 [hbm:s6], $0xF7A  }
0x23: {  	s9 =	sor.u32 $0xD0000000, s2;
	s6 =	simm.s32 $0x108;
	_ =	swait.ge @!p0 [sflag:s8], $0x0  }
0x24: {  	s3 =	sadd.s32 $0x88, s3;
	s6 =	simm.s32 @!p1 $0x1082;
	[sflag:s4] =	ssyncset.s32 $0xFFFFF086  }
0x25: {  	[simem:s6], [sflag:s4] =	dma.local [hbm:s3], $0xF7A  }
0x26: {  	[smem:$0x3F9E] =	sst s1;
	(tag) =	ssettag s2;
	_ =	strace s9  }
0x27: {  	s1 =	sld [smem:$0x3FAE]  }
0x28: {  	s2 =	sld [smem:$0x3FAF]  }
0x29: {  	s4 =	sld [smem:$0x3FB1]  }
0x2a: {  	p0 =	seq.s32 s5, $0x0;
	s5 =	sld [smem:$0x3FB2]  }
0x2b: {  	s6 =	sld [smem:$0x3FB3]  }
0x2c: {  	s7 =	sld [smem:$0x3FB4]  }
0x2d: {  	s3 =	simm.s32 $0x108;
	s8 =	sld [smem:$0x3FB5]  }
0x2e: {  	s3 =	simm.s32 @!p0 $0x1082;
	s9 =	sld [smem:$0x3FB6]  }
0x2f: {  	lr =	sadd.s32 s0, s3;
	s0 =	sld [smem:$0x3FAD]  }
0x30: {  	s3 =	sld [smem:$0x3FB0]  }
0x31: {  	[smem:$0x3FB9] =	sst s10  }
0x32: {  	s10 =	sld [smem:$0x3FB7];
	_ =	sdelay $0x3  }
0x33: {  	p0 =	seq.s32 s10, $0x1;
	s10 =	sld [smem:$0x3FB9];
	_ =	sdelay $0x3  }
0x34: {  	[smem:$0x3FB9] =	sst s10  }
0x35: {  	s10 =	sld [smem:$0x3FB8];
	_ =	sdelay $0x3  }
0x36: {  	p1 =	seq.s32 s10, $0x1;
	s10 =	sld [smem:$0x3FB9];
	_ =	sdelay $0x3  }
0x37: {  	[smem:$0x3FB9] =	sst s10  }
0x38: {  	s10 =	sld [smem:$0x3FBA]  }
0x39: {  	_ = 	snop;
	(pc) =	sbr.ind lr, $3  }
0x3a: {  	_ = 	snop  }
0x3b: {  	_ = 	snop  }
0x3c: {  	p2 =	seq.s32 s10, $0x1;
	s10 =	sld [smem:$0x3FB9]  }
0x3d: {  	_ =	shalt  }
0x3e: {  	_ =	shalt  }
0x3f: {  	_ =	shalt  }
0x40: {  	_ =	shalt  }
0x41: {  	_ =	shalt  }
0x42: {  	_ =	shalt  }
0x43: {  	_ =	shalt  }
0x44: {  	_ =	shalt  }
0x45: {  	_ =	shalt  }
0x46: {  	_ =	shalt  }
0x47: {  	_ =	shalt  }
0x48: {  	_ =	shalt  }
0x49: {  	_ =	shalt  }
0x4a: {  	_ =	shalt  }
0x4b: {  	_ =	shalt  }
0x4c: {  	_ =	shalt  }
0x4d: {  	_ =	shalt  }
0x4e: {  	_ =	shalt  }
0x4f: {  	_ =	shalt  }
0x50: {  	_ =	shalt  }
0x51: {  	_ =	shalt  }
0x52: {  	_ =	shalt  }
0x53: {  	_ =	shalt  }
0x54: {  	_ =	shalt  }
0x55: {  	_ =	shalt  }
0x56: {  	_ =	shalt  }
0x57: {  	_ =	shalt  }
0x58: {  	_ =	shalt  }
0x59: {  	_ =	shalt  }
0x5a: {  	_ =	shalt  }
0x5b: {  	_ =	shalt  }
0x5c: {  	_ =	shalt  }
0x5d: {  	_ =	shalt  }
0x5e: {  	_ =	shalt  }
0x5f: {  	_ =	shalt  }
0x60: {  	_ =	shalt  }
0x61: {  	_ =	shalt  }
0x62: {  	_ =	shalt  }
0x63: {  	_ =	shalt  }
0x64: {  	_ =	shalt  }
0x65: {  	_ =	shalt  }
0x66: {  	_ =	shalt  }
0x67: {  	_ =	shalt  }
0x68: {  	_ =	shalt  }
0x69: {  	_ =	shalt  }
0x6a: {  	_ =	shalt  }
0x6b: {  	_ =	shalt  }
0x6c: {  	_ =	shalt  }
0x6d: {  	_ =	shalt  }
0x6e: {  	_ =	shalt  }
0x6f: {  	_ =	shalt  }
0x70: {  	_ =	shalt  }
0x71: {  	_ =	shalt  }
0x72: {  	_ =	shalt  }
0x73: {  	_ =	shalt  }
0x74: {  	_ =	shalt  }
0x75: {  	_ =	shalt  }
0x76: {  	_ =	shalt  }
0x77: {  	_ =	shalt  }
0x78: {  	_ =	shalt  }
0x79: {  	_ =	shalt  }
0x7a: {  	_ =	shalt  }
0x7b: {  	_ =	shalt  }
0x7c: {  	_ =	shalt  }
0x7d: {  	_ =	shalt  }
0x7e: {  	_ =	shalt  }
0x7f: {  	_ =	shalt  }
0x80: {  	_ =	shalt  }
0x81: {  	_ =	shalt  }
0x82: {  	_ =	shalt  }
0x83: {  	_ =	shalt  }
0x84: {  	_ =	shalt  }
0x85: {  	_ =	shalt  }
0x86: {  	_ =	shalt  }
0x87: {  	_ =	shalt  }
.Lfunc_end0:
.L_simem_size_0:
called_computation_lowered:
.L_overlay_start_0:
0x88: {  	s0 =	sld [smem:$0x3FD9]  }
0x89: {  	s1 =	sld [smem:$0x3FFE];
	_ =	sdelay $0x3  }
0x8a: {  	s0 =	sadd.s32 s1, s0  }
0x8b: {  	[smem:$0x3FC5] =	sst s0  }
0x8c: {  	_ = 	snop  }
0x8d: {  	s0 =	sld [smem:$0x3FD0]  }
0x8e: {  	s14 =	sld [smem:$0x3FC9]  }
0x8f: {  	s2 =	sld [smem:$0x3FC8]  }
0x90: {  	s4 =	simm.s32 $0xA;
	s5 =	simm.s32 $0x10;
	s3 =	sld [smem:$0x3FC7]  }
0x91: {  	[smem:s5], [sflag:s4] =	dma.local [hbm:s0], $0x1  }
0x92: {  	_ =	swait.eq [sflag:s4], $0x1  }
0x93: {  	s15 =	sld [smem:$0x10];
	[sflag:s4] =	ssyncset.done $0x0  }
0x94: {  	s16 =	sld [smem:$0x11];
	[sflag:s4] =	ssyncadd.s32 $0xFFFFFFFF  }
0x95: {  	s17 =	sld [smem:$0x12];
	(tm) =	ssettm $0x1  }
0x96: {  	s6 =	sld [smem:$0x3FFB];
	_ =	sdelay $0x3  }
0x97: {  	_ =	strace s6  }
0x98: {  	s6 =	sld [smem:$0x3FFC];
	_ =	sdelay $0x3  }
0x99: {  	_ =	strace s6  }
0x9a: {  	s6 =	sld [smem:$0x3FFD];
	_ =	sdelay $0x3  }
0x9b: {  	_ =	strace s6  }
0x9c: {  	_ =	strace $0x8FFFFFFF  }
0x9d: {  	s18 =	sld [smem:$0x3FDB];
	_ =	sdelay $0x1  }
0x9e: {  	s7 =	simm.s32 $_scs_section_size  }
0x9f: {  	s8 =	simm.s32 $_size__tile_overlayer_lowered;
	s9 =	simm.s32 $_tile_overlayer_lowered  }
0xa0: {  	s21 =	simm.s32 $0x1BFF;
	s20 =	sshll.u32 s9, $0x1;
	s6 =	sadd.s32 s7, s18  }
0xa1: {  	s10 =	simm.s32 $0x0;
	s19 =	sshll.u32 s8, $0x1;
	s8 =	sadd.s32 s20, s6  }
0xa2: {  	[timem:s10], [sflag:s21] =	dma.local [hbm:s8], s19  }
0xa3: {  	_ =	swait.ge [sflag:s21], s19  }
0xa4: {  	s7 =	ssub.s32 $0x0, s19;
	[sflag:s21] =	ssyncset.done $0x0  }
0xa5: {  	[sflag:s21] =	ssyncadd.s32 s7;
	_ =	sdelay $0x1  }
0xa6: {  	s22 =	simm.s32 $0x1B8B  }
0xa7: {  	_ =	swait.ge [sflag:s22], $0x1  }
0xa8: {  	[sflag:s22] =	ssyncset.done $0x0  }
0xa9: {  	s23 =	simm.s32 $0x1B8E;
	[sflag:s22] =	ssyncadd.s32 $0xFFFFFFFF  }
0xaa: {  	s24 =	simm.s32 $execute0_lowered;
	[smem:$0x3FD2] =	sst s23  }
0xab: {  	s7 =	sshll.u32 s24, $0x1;
	_ =	strace $0x80000046;
	[dreg:$0x1] =	wrdreg $0xFFFFFFFF  }
0xac: {  	s25 =	simm.s32 $_size_execute0_lowered;
	s6 =	sadd.s32 s6, s7;
	[dreg:$0x0] =	wrdreg $0x0  }
0xad: {  	s7 =	sshll.u32 s25, $0x1;
	[dreg:$0x2] =	wrdreg s6  }
0xae: {  	[dreg:$0x3] =	wrdreg s7  }
0xaf: {  	[dreg:$0x4] =	wrdreg $0xC0  }
0xb0: {  	_ =	task [dreg:s10], $0x5FFFF  }
0xb1: {  	[dreg:$0x1] =	wrdreg $0xFFFFFFFF  }
0xb2: {  	[dreg:$0x0] =	wrdreg $0x60  }
0xb3: {  	[dreg:$0x2] =	wrdreg s14  }
0xb4: {  	[dreg:$0x3] =	wrdreg s2  }
0xb5: {  	[dreg:$0x4] =	wrdreg s3  }
0xb6: {  	[dreg:$0x5] =	wrdreg s15  }
0xb7: {  	[dreg:$0x6] =	wrdreg s16  }
0xb8: {  	[dreg:$0x7] =	wrdreg s17  }
0xb9: {  	[dreg:$0x8] =	wrdreg $0x9  }
0xba: {  	_ =	task.clear_ibuf [dreg:s10], $0x9FFFF;
	_ =	strace $0x90000046  }
0xbb: {  	s26 =	simm.s32 $0x9;
	_ =	strace $0x80000048  }
0xbc: {  	_ =	swait.ge [sflag:s26], $0x1  }
0xbd: {  	[sflag:s26] =	ssyncadd.s32 $0xFFFFFFFF  }
0xbe: {  	_ =	strace $0x90000048  }
0xbf: {  	_ =	sfence  }
0xc0: {  	s28 =	sld [smem:$0x0];
	_ =	sdelay $0x1  }
0xc1: {  	s29 =	srdreg.scid  }
0xc2: {  	s30 =	sshll.u32 s29, $0xD;
	s31 =	sshrl.u32 s29, $0x2  }
0xc3: {  	s1 =	sand.u32 $0x1, s29;
	s2 =	sand.u32 $0x4000, s30;
	s0 =	sadd.s32 s31, s28  }
0xc4: {  	s1 =	sor.u32 s2, s1;
	s0 =	sshll.u32 s0, $0x11  }
0xc5: {  	s0 =	sor.u32 s0, s1  }
0xc6: {  	s0 =	sadd.s32 $0x8F2B, s0  }
0xc7: {  	[sflag:s0] =	ssyncadd.remote.s32 $0x1  }
0xc8: {  	_ =	sfence.sel $0xFFFF  }
0xc9: {  	[dreg:$0x0] =	wrdreg $0xFFFFFFFF;
	(pc) =	sbr.abs _section_cstart, $3  }
0xca: {  	[dreg:$0x1] =	wrdreg $0xFFFFFFFF  }
0xcb: {  	_ =	task.clear_ibuf [dreg:s10], $0x2FFFF;
	_ =	strace $0x9FFFFFFF  }
0xcc: {  	(tm) =	ssettm $0x7FFFFFFF  }
0xcd: {  	_ =	shalt  }
tec
execute0_lowered:
.L_overlay_start_1:
0x0: {  	(tag) =	ssettag $0x1  }
0x1: {  	s7 =	rddreg [dreg:$0x0];
	s3 =	stileid.u32  }
0x2: {  	s6 =	rddreg [dreg:$0x1];
	p0 =	sne.s32 s3, $0x0  }
.Ltmp0:
0x3: {  	s5 =	rddreg [dreg:$0x2];
	(pc) =	sbr.rel @p0 .LBB2_2-.Ltmp0, $4  }
0x4: {  	s1 =	rddreg [dreg:$0x3]  }
0x5: {  	s4 =	rddreg [dreg:$0x4]  }
0x6: {  	s2 =	rddreg [dreg:$0x5]  }
0x7: {  	s0 =	rddreg [dreg:$0x6];
	_ =	strace $0x80000047  }
0x8: {  	s3 =	simm.s32 $0x0  }
0x9: {  	[tilespmem:s3], [sflag:$0x1] =	stream.linear.gather [hbm4b:s7+s3], $0x100, $0x38;
	[tilespmem:$0x300] =	vst v63  }
0xa: {  	s24 =	simm.s32 $0x100  }
0xb: {  	[tilespmem:s24], [sflag:$0x1] =	stream.linear.gather [hbm4b:s6+s3], $0x1, $0x38;
	[tilespmem:$0x300] =	vst v63  }
0xc: {  	s25 =	simm.s32 $0x108;
	s26 =	simm.s32 $0x1  }
0xd: {  	[tilespmem:s25], [sflag:$0x1] =	stream.linear.gather [hbm4b:s5+s3], $0x1, $0x38;
	[tilespmem:$0x300] =	vst v63  }
0xe: {  	_ =	swait.ge [sflag:s26], $0x100  }
0xf: {  	[sflag:s26] =	ssyncset.done $0x0  }
0x10: {  	[sflag:s26] =	ssyncadd.s32 $0xFFFFFF00  }
0x11: {  	v0 =	vld [tilespmem:$0x0]  }
0x12: {  	v1 =	vld [tilespmem:$0x10];
	_ =	sdelay $0x1  }
0x13: {  	v2 =	vld [tilespmem:$0x20];
	_ =	sdelay $0x1  }
0x14: {  	v3 =	vld [tilespmem:$0x30]  }
0x15: {  	v0 =	vsub.f32 v0, v0;
	v1 =	vsub.f32 v1, v1  }
0x16: {  	v4 =	vld [tilespmem:$0x40]  }
0x17: {  	v2 =	vsub.f32 v2, v2;
	v0 =	vmul.f32 v0, v0;
	v1 =	vmul.f32 v1, v1  }
0x18: {  	v5 =	vld [tilespmem:$0x50]  }
0x19: {  	v9 =	vsub.f32 v3, v3;
	v8 =	vmul.f32 v2, v2;
	v0 =	vadd.f32 v1, v0  }
0x1a: {  	v10 =	vld [tilespmem:$0x60]  }
0x1b: {  	v12 =	vsub.f32 v4, v4;
	v11 =	vmul.f32 v9, v9;
	v0 =	vadd.f32 v8, v0  }
0x1c: {  	v13 =	vld [tilespmem:$0x70]  }
0x1d: {  	v15 =	vsub.f32 v5, v5;
	v14 =	vmul.f32 v12, v12;
	v0 =	vadd.f32 v11, v0  }
0x1e: {  	v16 =	vld [tilespmem:$0x80]  }
0x1f: {  	v18 =	vsub.f32 v10, v10;
	v17 =	vmul.f32 v15, v15;
	v0 =	vadd.f32 v14, v0  }
0x20: {  	v19 =	vld [tilespmem:$0x90]  }
0x21: {  	v21 =	vsub.f32 v13, v13;
	v20 =	vmul.f32 v18, v18;
	v0 =	vadd.f32 v17, v0  }
0x22: {  	v22 =	vld [tilespmem:$0xA0]  }
0x23: {  	v24 =	vsub.f32 v16, v16;
	v23 =	vmul.f32 v21, v21;
	v0 =	vadd.f32 v20, v0  }
0x24: {  	v25 =	vld [tilespmem:$0xB0]  }
0x25: {  	v27 =	vsub.f32 v19, v19;
	v26 =	vmul.f32 v24, v24;
	v0 =	vadd.f32 v23, v0  }
0x26: {  	v28 =	vld [tilespmem:$0xC0]  }
0x27: {  	v30 =	vsub.f32 v22, v22;
	v29 =	vmul.f32 v27, v27;
	v0 =	vadd.f32 v26, v0  }
0x28: {  	v31 =	vld [tilespmem:$0xD0]  }
0x29: {  	v33 =	vsub.f32 v25, v25;
	v32 =	vmul.f32 v30, v30;
	v0 =	vadd.f32 v29, v0  }
0x2a: {  	v34 =	vld [tilespmem:$0xE0]  }
0x2b: {  	v39 =	vld [tilespmem:$0xF0];
	v36 =	vsub.f32 v28, v28;
	v35 =	vmul.f32 v33, v33;
	v0 =	vadd.f32 v32, v0;
	_ =	sdelay $0x1  }
0x2c: {  	v38 =	vsub.f32 v31, v31;
	v37 =	vmul.f32 v36, v36;
	v0 =	vadd.f32 v35, v0  }
0x2d: {  	v43 =	vimm.s32 $0xFEDCBA98  }
0x2e: {  	v41 =	vsub.f32 v34, v34;
	v40 =	vmul.f32 v38, v38;
	v0 =	vadd.f32 v37, v0  }
0x2f: {  	v44 =	vimm.s32 $0x76543210;
	v3 =	vsub.f32 v39, v39;
	v2 =	vunpack.c.l.s4.s8 v43  }
0x30: {  	v4 =	vunpack.c.l.s4.s8 v44;
	v42 =	vmul.f32 v41, v41;
	v0 =	vadd.f32 v40, v0  }
0x31: {  	v48 =	vimm.s32 $0x3210FEDC;
	v49 =	vimm.s32 $0xBA987654;
	v2 =	vunpack.c.0.s8.s32 v2  }
0x32: {  	v45 =	vmul.f32 v3, v3;
	v46 =	vunpack.c.0.s8.s32 v4;
	v0 =	vadd.f32 v42, v0  }
0x33: {  	v3 =	vunpack.c.l.s4.s8 v49;
	v47 =	vand.u32 $0xF, v2;
	v2 =	vunpack.c.l.s4.s8 v48  }
0x34: {  	v1 =	vcombine.low v47, v46;
	v0 =	vadd.f32 v45, v0  }
0x35: {  	v3 =	vunpack.c.0.s8.s32 v3;
	v2 =	vunpack.c.0.s8.s32 v2  }
0x36: {  	v1 =	vperm.xlane v0, v1  }
0x37: {  	v51 =	vimm.s32 $0x10FEDCBA;
	v52 =	vimm.s32 $0x98765432;
	v50 =	vcombine.low v3, v2  }
0x38: {  	v2 =	vunpack.c.l.s4.s8 v51;
	v3 =	vunpack.c.l.s4.s8 v52;
	v0 =	vadd.f32 v0, v1  }
0x39: {  	v54 =	vimm.s32 $0x87654321  }
0x3a: {  	v2 =	vunpack.c.0.s8.s32 v2;
	v3 =	vunpack.c.0.s8.s32 v3;
	v1 =	vperm.xlane v0, v50  }
0x3b: {  	v53 =	vimm.s32 $0xFEDCBA9;
	v55 =	vunpack.c.l.s4.s8 v54  }
0x3c: {  	v2 =	vcombine.low v3, v2;
	v0 =	vadd.f32 v0, v1;
	v1 =	vunpack.c.l.s4.s8 v53;
	_ =	sdelay $0x1  }
0x3d: {  	v3 =	vunpack.c.0.s8.s32 v55;
	v2 =	vperm.xlane v0, v2;
	v1 =	vunpack.c.0.s8.s32 v1;
	_ =	sdelay $0x1  }
0x3e: {  	v0 =	vadd.f32 v0, v2;
	v1 =	vcombine.low v3, v1;
	_ =	sdelay $0x1  }
0x3f: {  	v1 =	vperm.xlane v0, v1;
	_ =	sdelay $0x1  }
0x40: {  	v0 =	vadd.f32 v0, v1;
	_ =	sdelay $0x1  }
0x41: {  	v1 =	vsub.f32 $0.0e+00, v0;
	_ =	sdelay $0x1  }
0x42: {  	v56 =	vimm.s32 $0x0;
	vm0 =	vne.f32 v1, v1  }
0x43: {  	v57 =	vsel vm0, $0x1, v56  }
0x44: {  	s28 =	simm.s32 $0x280;
	[tilespmem:$0x280] =	vst v57  }
0x45: {  	[hbm4b:s4+s3] =	stream.linear.scatter [tilespmem:s28], [sflag:$0x2], $0x1, $0x38;
	[tilespmem:$0x300] =	vst v63  }
0x46: {  	_ =	swait.ge [sflag:s26], $0x1  }
0x47: {  	[sflag:s26] =	ssyncset.done $0x0  }
0x48: {  	[sflag:s26] =	ssyncadd.s32 $0xFFFFFFFF  }
0x49: {  	_ =	swait.ge [sflag:s26], $0x1  }
0x4a: {  	[sflag:s26] =	ssyncset.done $0x0  }
0x4b: {  	[sflag:s26] =	ssyncadd.s32 $0xFFFFFFFF  }
0x4c: {  	v58 =	vld [tilespmem:$0x100];
	_ =	sdelay $0x3  }
0x4d: {  	v59 =	vimm.s32 $0x8  }
0x4e: {  	v4 =	vperm.xlane v58, v59;
	_ =	sdelay $0x1  }
0x4f: {  	(erf) = vrcp.f32 v4;
	_ =	sdelay $0x5  }
0x50: {  	v2 =	vperm.xlane v58, v56;
	_ =	sdelay $0x1  }
0x51: {  	v0 =	vsub.f32 v0, v2  }
0x52: {  	v60 =	vpop (erf)  }
0x53: {  	v0 =	vmul.f32 v60, v0;
	_ =	sdelay $0x1  }
0x54: {  	v0 =	vsub.f32 $0.0e+00, v0;
	_ =	sdelay $0x1  }
0x55: {  	v0 =	vmul.f32 $1.442695020e+00, v0;
	_ =	sdelay $0x1  }
0x56: {  	(erf) = vpow2.f32 v0;
	_ =	sdelay $0x8  }
0x57: {  	v1 =	vsub.f32 v1, v1;
	v0 =	vpop (erf)  }
0x58: {  	v0 =	vadd.f32 $1.000000000e+00, v0  }
0x59: {  	v1 =	vmul.f32 $1.442695020e+00, v1  }
0x5a: {  	(erf) = vrcp.f32 v0  }
0x5b: {  	(erf) = vpow2.f32 v1;
	_ =	sdelay $0x7  }
0x5c: {  	v0 =	vpop (erf)  }
0x5d: {  	v1 =	vpop (erf)  }
0x5e: {  	v1 =	vadd.f32 v1, v1;
	_ =	sdelay $0x1  }
0x5f: {  	v61 =	vmul.f32 $5.000000000e-01, v1;
	_ =	sdelay $0x1  }
0x60: {  	v2 =	vadd.f32 $6.931471820e-01, v61;
	_ =	sdelay $0x1  }
0x61: {  	v2 =	vadd.f32 $-1.000000000e+00, v2;
	_ =	sdelay $0x1  }
0x62: {  	v62 =	vsub.f32 $0.0e+00, v2;
	_ =	sdelay $0x1  }
0x63: {  	v3 =	vmul.f32 $1.442695020e+00, v62;
	_ =	sdelay $0x1  }
0x64: {  	(erf) = vpow2.f32 v3;
	_ =	sdelay $0x8  }
0x65: {  	v3 =	vpop (erf)  }
0x66: {  	v1 =	vmul.f32 v3, v1;
	_ =	sdelay $0x1  }
0x67: {  	v1 =	vadd.f32 v1, v2;
	_ =	sdelay $0x1  }
0x68: {  	s29 =	simm.s32 $0x200;
	[tilespmem:$0x200] =	vst v0;
	v63 =	vadd.f32 $-1.000000000e+00, v1  }
0x69: {  	[hbm4b:s2+s3] =	stream.linear.scatter [tilespmem:s29], [sflag:$0x2], $0x1, $0x38;
	[tilespmem:$0x300] =	vst v63  }
0x6a: {  	s30 =	simm.s32 $0x180;
	s31 =	simm.s32 $0x2;
	[tilespmem:$0x180] =	vst v63  }
0x6b: {  	[hbm4b:s1+s3] =	stream.linear.scatter [tilespmem:s30], [sflag:$0x2], $0x1, $0x38;
	[tilespmem:$0x300] =	vst v63  }
0x6c: {  	_ =	swait.ge [sflag:s31], $0x1  }
0x6d: {  	[sflag:s31] =	ssyncset.done $0x0  }
0x6e: {  	[sflag:s31] =	ssyncadd.s32 $0xFFFFFFFF  }
0x6f: {  	_ =	swait.ge [sflag:s31], $0x1  }
0x70: {  	[sflag:s31] =	ssyncset.done $0x0  }
0x71: {  	[sflag:s31] =	ssyncadd.s32 $0xFFFFFFFF  }
0x72: {  	_ =	swait.ge [sflag:s31], $0x1  }
0x73: {  	[sflag:s31] =	ssyncset.done $0x0  }
0x74: {  	[sflag:s31] =	ssyncadd.s32 $0xFFFFFFFF  }
.LBB2_2:
0x75: {  	_ =	sfence.sel $0x180000  }
0x76: {  	[bflag:$0x0] =	sbarrier.arrive $0xFFFF  }
0x77: {  	_ =	strace $0x90000047  }
0x78: {  	s0 =	sadd.s32 @!p0 $0x100000, s0;
	[bflag:$0x2] =	sbarrier.arrive $0xFFFF  }
0x79: {  	[sflag:s0] =	ssyncadd.tile.s32 @!p0 $0x1;
	_ =	shalt  }
.Lfunc_end2:
_tile_overlayer_lowered:
.L_overlay_start_2:
0x7a: {  	(tag) =	ssettag $0x2  }
0x7b: {  	s0 =	rddreg [dreg:$0x0];
	s2 =	stileid.u32  }
0x7c: {  	s1 =	rddreg [dreg:$0x1];
	p0 =	sne.s32 s2, $0x0  }
0x7d: {  	s3 =	rddreg [dreg:$0x2];
	[bflag:$0x3] =	sbarrier.arrive $0xFFFF;
	s2 =	simm.s32 @!p0 $0x1C03  }
0x7e: {  	[timem:s3], [sflag:s2] =	dma.local @!p0 [hbm:s0], s1  }
0x7f: {  	s0 =	simm.s32 @!p0 $0x3  }
0x80: {  	_ =	swait.ge @!p0 [sflag:s0], s1  }
0x81: {  	s1 =	ssub.s32 @!p0 $0x0, s1;
	[sflag:s0] =	ssyncset.done @!p0 $0x0  }
0x82: {  	[sflag:s0] =	ssyncadd.s32 @!p0 s1  }
0x83: {  	[bflag:$0x3] =	sbarrier.arrive $0xFFFF  }
0x84: {  	_ =	shalt  }

</sc_bundles>
